<compile_context>
chip_gen: v7x
topology: tpu7x:2x2x1
jax: 0.10.2.dev20260603
libtpu: 0.0.44.dev20260713+nightly
codegen_flags: <defaults>
</compile_context>

<pallas_src>
import functools

import jax
import jax.numpy as jnp
from jax import lax
from jax.experimental import pallas as pl
from jax.experimental.pallas import tpu as pltpu
from jax.experimental.pallas import tpu_sc as plsc

K = 20
R = 256
PADD = 16
INF = float("inf")


def _topk_body(n_keys, xyz_ref, xyzT_ref, src_ref, srcoff_ref):
    b = pl.program_id(0)
    q = xyz_ref[0]
    keys = xyzT_ref[0]
    xx = jnp.sum(q * q, axis=1, keepdims=True)
    yy = jnp.sum(keys * keys, axis=0, keepdims=True)
    inner = jnp.dot(q, keys, preferred_element_type=jnp.float32)
    dist = jnp.maximum(xx + yy - 2.0 * inner, 0.0)
    iota = lax.broadcasted_iota(jnp.int32, (R, n_keys), 1)
    big = jnp.int32(n_keys)
    idxs = []
    for j in range(K + 1):
        v = jnp.min(dist, axis=1, keepdims=True)
        eq = dist == v
        idx = jnp.min(jnp.where(eq, iota, big), axis=1, keepdims=True)
        if j > 0:
            idxs.append(idx)
        if j < K:
            dist = jnp.where(iota == idx, INF, dist)
    ind = jnp.concatenate(idxs, axis=1)
    src_ref[0] = ind
    srcoff_ref[0] = ind + b * n_keys


def _topk(xyz):
    B, N, _ = xyz.shape
    xyzT = jnp.transpose(xyz, (0, 2, 1))
    return pl.pallas_call(
        functools.partial(_topk_body, N),
        grid=(B, N // R),
        in_specs=[
            pl.BlockSpec((1, R, 3), lambda b, i: (b, i, 0)),
            pl.BlockSpec((1, 3, N), lambda b, i: (b, 0, 0)),
        ],
        out_specs=[
            pl.BlockSpec((1, R, K), lambda b, i: (b, i, 0)),
            pl.BlockSpec((1, R, K), lambda b, i: (b, i, 0)),
        ],
        out_shape=[
            jax.ShapeDtypeStruct((B, N, K), jnp.int32),
            jax.ShapeDtypeStruct((B, N, K), jnp.int32),
        ],
    )(xyz, xyzT)


def _edge_gather(pos_pad, src_off, dst_off):
    E = src_off.shape[0]
    info = plsc.get_sparse_core_info()
    NC, NS = info.num_cores, info.num_subcores
    NW = NC * NS
    e_per_w = E // NW
    CH = 512
    n_ch = e_per_w // CH
    mesh = plsc.VectorSubcoreMesh(core_axis_name="c", subcore_axis_name="s")

    @functools.partial(
        pl.kernel, mesh=mesh,
        compiler_params=pltpu.CompilerParams(use_tc_tiling_on_sc=False),
        out_type=jax.ShapeDtypeStruct((E, PADD), jnp.float32),
        scratch_types=[
            pltpu.VMEM((CH,), jnp.int32),
            pltpu.VMEM((CH,), jnp.int32),
            pltpu.VMEM((CH, PADD), jnp.float32),
            pltpu.VMEM((CH, PADD), jnp.float32),
            pltpu.VMEM((CH, PADD), jnp.float32),
            pltpu.SemaphoreType.DMA,
        ],
    )
    def k(pos_hbm, sidx_hbm, didx_hbm, out_hbm,
          sidx_v, didx_v, srow_v, drow_v, out_v, sem):
        wid = lax.axis_index("s") * NC + lax.axis_index("c")

        def chunk_body(c, carry):
            base = wid * e_per_w + c * CH
            pltpu.sync_copy(sidx_hbm.at[pl.ds(base, CH)], sidx_v)
            pltpu.sync_copy(didx_hbm.at[pl.ds(base, CH)], didx_v)
            pltpu.async_copy(pos_hbm.at[sidx_v], srow_v, sem).wait()
            pltpu.async_copy(pos_hbm.at[didx_v], drow_v, sem).wait()

            def e_body(e, c2):
                out_v[e] = drow_v[e] - srow_v[e]
                return c2

            lax.fori_loop(0, CH, e_body, 0)
            pltpu.sync_copy(out_v, out_hbm.at[pl.ds(base, CH)])
            return carry

        lax.fori_loop(0, n_ch, chunk_body, 0)

    return k(pos_pad, src_off, dst_off)


def kernel(xyz):
    B, N, _ = xyz.shape
    pos = xyz
    ind, ind_off = _topk(xyz)
    src = ind.reshape(B, N * K)

    dst = jnp.repeat(jnp.arange(N, dtype=jnp.int32), K)
    dst_b = jnp.tile(dst[None, :], (B, 1))

    pos_pad = jnp.pad(pos.reshape(B * N, 3), ((0, 0), (0, PADD - 3)))
    src_off = ind_off.reshape(B * N * K)
    dst_off = (dst_b + jnp.arange(B, dtype=jnp.int32)[:, None] * N).reshape(-1)
    d_pad = _edge_gather(pos_pad, src_off, dst_off)
    d = d_pad[:, :3].reshape(B, N * K, 3)

    f = jnp.ones((B, N, 1, 1), dtype=jnp.float32)
    return (pos, f, src, dst_b, d)

# --- scband reference (transcript-rebuilt; emitter-appended) ---
"""Pipeline reference for scband-build-graph-11690900979979 (READ-ONLY COPY).

The authoritative reference and input builder live on the scoring server;
editing this copy changes nothing except your own understanding.
"""

import jax, jax.numpy as jnp
import numpy as np

NUM_SAMPLES = 20

def setup_inputs(seed: int = 0) -> dict:
    key = jax.random.key(seed)
    xyz = jax.random.normal(key, (2, 4096, 3), dtype=jnp.float32)
    return {"xyz": xyz}

def _pdist2squared(x, y):
    # x, y: [B, 3, N]
    xx = jnp.sum(x ** 2, axis=1)[:, :, None]  # [B, N, 1]
    yy = jnp.sum(y ** 2, axis=1)[:, None, :]  # [B, 1, N]
    inner = jnp.einsum('bdn,bdm->bnm', x, y)  # x^T y -> [B, N, N]
    dist = xx + yy - 2.0 * inner
    dist = jnp.where(jnp.isnan(dist), 0.0, dist)
    dist = jnp.clip(dist, 0.0, None)
    return dist

def _knn_indices(pos, k):
    # pos: [B, N, 3]; replicates SampleNeighbors(knn=True)
    xt = jnp.transpose(pos, (0, 2, 1))  # [B, 3, N]
    dist = _pdist2squared(xt, xt)       # [B, N, N], rows=xyz2 pts, cols=xyz1 pts
    # torch: dist.topk(k+1, dim=1, largest=False)[1].permute(0,2,1)[:, :, 1:]
    dist_t = jnp.transpose(dist, (0, 2, 1))  # [B, N_query, N_key]
    _, idx = jax.lax.top_k(-dist_t, k + 1)   # smallest distances -> [B, N, k+1]
    return idx[:, :, 1:].astype(jnp.int32)   # drop self, [B, N, k]

def reference(xyz):
    # BuildGraph.forward with downsample=False: pos = xyz
    pos = xyz
    B, N, _ = pos.shape
    ind = _knn_indices(pos, NUM_SAMPLES)  # [B, N, K] neighbor (src) indices
    src = ind.reshape(B, -1)              # per-graph src node ids, [B, N*K]
    dst = jnp.repeat(jnp.arange(N), NUM_SAMPLES)  # [N*K]
    b_idx = jnp.arange(B)[:, None]
    # edata['d'] = pos[dst] - pos[src]  (per batch graph)
    d = pos[b_idx, dst[None, :]] - pos[b_idx, src]  # [B, N*K, 3]
    # ndata['f'] = ones(N, 1, 1)
    f = jnp.ones((B, N, 1, 1), dtype=jnp.float32)
    dst_b = jnp.tile(dst[None, :], (B, 1))
    # Return the batched-graph contents: node positions, node features,
    # edge endpoints, and edge displacement vectors (dgl.batch equivalent).
    return (pos, f, src, dst_b, d)

if __name__ == "__main__":
    import jax
    _d = setup_inputs()
    print(jax.jit(kernel)(*tuple(_d.values())))

</pallas_src>

<mosaic_0001>
#map = affine_map<(d0, d1) -> (0, 0)>
#map1 = affine_map<(d0, d1) -> (0)>
module attributes {stable_mosaic.version = 14 : i64} {
  func.func @k(%arg0: i32, %arg1: i32, %arg2: memref<8192x16xf32, #tpu.memory_space<hbm>>, %arg3: memref<163840xi32, #tpu.memory_space<hbm>>, %arg4: memref<163840xi32, #tpu.memory_space<hbm>>, %arg5: memref<163840x16xf32, #tpu.memory_space<hbm>>, %arg6: memref<512xi32, #tpu.memory_space<vmem>>, %arg7: memref<512xi32, #tpu.memory_space<vmem>>, %arg8: memref<512x16xf32, #tpu.memory_space<vmem>>, %arg9: memref<512x16xf32, #tpu.memory_space<vmem>>, %arg10: memref<512x16xf32, #tpu.memory_space<vmem>>, %arg11: memref<!tpu.dma_semaphore, #tpu.memory_space<semaphore_mem>>) attributes {dimension_semantics = [#tpu.dimension_semantics<core_parallel>, #tpu.dimension_semantics<subcore_parallel>], iteration_bounds = array<i64: 2, 16>, scalar_prefetch = 0 : i64, scratch_operands = 6 : i64, tpu.core_type = #tpu.core_type<sc_vector_subcore>, window_params = [{transform_indices = #map}, {transform_indices = #map1}, {transform_indices = #map1}, {transform_indices = #map}]} {
    %mul3A = arith.constant 2 : i32
    %mul3A_0 = arith.muli %arg1, %mul3A : i32
    %add3A = arith.addi %mul3A_0, %arg0 : i32
    %scan3A = arith.constant 0 : i32
    %scan3A_1 = arith.constant 0 : i32
    %scan3A_2 = arith.constant 10 : i32
    %scan3A_3 = arith.addi %scan3A_1, %scan3A_2 : i32
    %scan3A_4 = arith.constant 1 : i32
    scf.for %scan3A_6 = %scan3A_1 to %scan3A_3 step %scan3A_4  : i32 {
      %mul3A_7 = arith.constant 5120 : i32
      %mul3A_8 = arith.muli %add3A, %mul3A_7 : i32
      %mul3A_9 = arith.constant 512 : i32
      %mul3A_10 = arith.muli %scan3A_6, %mul3A_9 : i32
      %add3A_11 = arith.addi %mul3A_8, %mul3A_10 : i32
      "tpu.region"() ({
        %run_scoped3A = tpu.sem_alloc : memref<!tpu.dma_semaphore, #tpu.memory_space<semaphore_mem>>
        %dma_start3A_28 = tpu.memref_slice %arg3[%add3A_11] : memref<163840xi32, #tpu.memory_space<hbm>> -> memref<512xi32, #tpu.memory_space<hbm>>
        %dma_start3A_29 = tpu.memref_slice %arg3[%add3A_11] : memref<163840xi32, #tpu.memory_space<hbm>> -> memref<512xi32, #tpu.memory_space<hbm>>
        tpu.enqueue_dma source(%dma_start3A_29 : memref<512xi32, #tpu.memory_space<hbm>>) target(%arg6 : memref<512xi32, #tpu.memory_space<vmem>>) target_semaphore(%run_scoped3A : memref<!tpu.dma_semaphore, #tpu.memory_space<semaphore_mem>>)
        %dma_wait3A_30 = tpu.memref_slice %arg3[%add3A_11] : memref<163840xi32, #tpu.memory_space<hbm>> -> memref<512xi32, #tpu.memory_space<hbm>>
        %dma_wait3A_31 = tpu.memref_slice %arg3[%add3A_11] : memref<163840xi32, #tpu.memory_space<hbm>> -> memref<512xi32, #tpu.memory_space<hbm>>
        tpu.wait_dma2 semaphore(%run_scoped3A : memref<!tpu.dma_semaphore, #tpu.memory_space<semaphore_mem>>) src(%dma_wait3A_31 : memref<512xi32, #tpu.memory_space<hbm>>) dst(%arg6 : memref<512xi32, #tpu.memory_space<vmem>>)
        tpu.yield
      }) : () -> ()
      "tpu.region"() ({
        %run_scoped3A = tpu.sem_alloc : memref<!tpu.dma_semaphore, #tpu.memory_space<semaphore_mem>>
        %dma_start3A_28 = tpu.memref_slice %arg4[%add3A_11] : memref<163840xi32, #tpu.memory_space<hbm>> -> memref<512xi32, #tpu.memory_space<hbm>>
        %dma_start3A_29 = tpu.memref_slice %arg4[%add3A_11] : memref<163840xi32, #tpu.memory_space<hbm>> -> memref<512xi32, #tpu.memory_space<hbm>>
        tpu.enqueue_dma source(%dma_start3A_29 : memref<512xi32, #tpu.memory_space<hbm>>) target(%arg7 : memref<512xi32, #tpu.memory_space<vmem>>) target_semaphore(%run_scoped3A : memref<!tpu.dma_semaphore, #tpu.memory_space<semaphore_mem>>)
        %dma_wait3A_30 = tpu.memref_slice %arg4[%add3A_11] : memref<163840xi32, #tpu.memory_space<hbm>> -> memref<512xi32, #tpu.memory_space<hbm>>
        %dma_wait3A_31 = tpu.memref_slice %arg4[%add3A_11] : memref<163840xi32, #tpu.memory_space<hbm>> -> memref<512xi32, #tpu.memory_space<hbm>>
        tpu.wait_dma2 semaphore(%run_scoped3A : memref<!tpu.dma_semaphore, #tpu.memory_space<semaphore_mem>>) src(%dma_wait3A_31 : memref<512xi32, #tpu.memory_space<hbm>>) dst(%arg7 : memref<512xi32, #tpu.memory_space<vmem>>)
        tpu.yield
      }) : () -> ()
      %dma_start3A = arith.constant 0 : i32
      %dma_start3A_12 = arith.constant 0 : i32
      %dma_start3A_13 = tpu.memref_slice %arg2[%dma_start3A, %dma_start3A_12] : memref<8192x16xf32, #tpu.memory_space<hbm>> -> memref<8192x16xf32, #tpu.memory_space<hbm>>
      tpu.enqueue_indirect_dma source(%dma_start3A_13 : memref<8192x16xf32, #tpu.memory_space<hbm>>) target(%arg8 : memref<512x16xf32, #tpu.memory_space<vmem>>) offsets(%arg6 : memref<512xi32, #tpu.memory_space<vmem>>) semaphore(%arg11 : memref<!tpu.dma_semaphore, #tpu.memory_space<semaphore_mem>>)
      %dma_wait3A = arith.constant 0 : i32
      %dma_wait3A_14 = arith.constant 0 : i32
      %dma_wait3A_15 = tpu.memref_slice %arg2[%dma_wait3A, %dma_wait3A_14] : memref<8192x16xf32, #tpu.memory_space<hbm>> -> memref<8192x16xf32, #tpu.memory_space<hbm>>
      tpu.wait_indirect_dma semaphore(%arg11 : memref<!tpu.dma_semaphore, #tpu.memory_space<semaphore_mem>>) src(%dma_wait3A_15 : memref<8192x16xf32, #tpu.memory_space<hbm>>) dst(%arg8 : memref<512x16xf32, #tpu.memory_space<vmem>>)
      %dma_start3A_16 = arith.constant 0 : i32
      %dma_start3A_17 = arith.constant 0 : i32
      %dma_start3A_18 = tpu.memref_slice %arg2[%dma_start3A_16, %dma_start3A_17] : memref<8192x16xf32, #tpu.memory_space<hbm>> -> memref<8192x16xf32, #tpu.memory_space<hbm>>
      tpu.enqueue_indirect_dma source(%dma_start3A_18 : memref<8192x16xf32, #tpu.memory_space<hbm>>) target(%arg9 : memref<512x16xf32, #tpu.memory_space<vmem>>) offsets(%arg7 : memref<512xi32, #tpu.memory_space<vmem>>) semaphore(%arg11 : memref<!tpu.dma_semaphore, #tpu.memory_space<semaphore_mem>>)
      %dma_wait3A_19 = arith.constant 0 : i32
      %dma_wait3A_20 = arith.constant 0 : i32
      %dma_wait3A_21 = tpu.memref_slice %arg2[%dma_wait3A_19, %dma_wait3A_20] : memref<8192x16xf32, #tpu.memory_space<hbm>> -> memref<8192x16xf32, #tpu.memory_space<hbm>>
      tpu.wait_indirect_dma semaphore(%arg11 : memref<!tpu.dma_semaphore, #tpu.memory_space<semaphore_mem>>) src(%dma_wait3A_21 : memref<8192x16xf32, #tpu.memory_space<hbm>>) dst(%arg9 : memref<512x16xf32, #tpu.memory_space<vmem>>)
      %scan3A_22 = arith.constant 0 : i32
      %scan3A_23 = arith.constant 0 : i32
      %scan3A_24 = arith.constant 512 : i32
      %scan3A_25 = arith.addi %scan3A_23, %scan3A_24 : i32
      %scan3A_26 = arith.constant 1 : i32
      scf.for %scan3A_28 = %scan3A_23 to %scan3A_25 step %scan3A_26  : i32 {
        %get3A = arith.index_cast %scan3A_28 : i32 to index
        %get3A_29 = arith.constant 0 : index
        %get3A_30 = tpu.vector_load %arg9[%get3A, %get3A_29] {strides = array<i32>} : memref<512x16xf32, #tpu.memory_space<vmem>>, vector<1x16xf32>,
        %get3A_31 = vector.shape_cast %get3A_30 : vector<1x16xf32> to vector<16xf32>
        %get3A_32 = arith.index_cast %scan3A_28 : i32 to index
        %get3A_33 = arith.constant 0 : index
        %get3A_34 = tpu.vector_load %arg8[%get3A_32, %get3A_33] {strides = array<i32>} : memref<512x16xf32, #tpu.memory_space<vmem>>, vector<1x16xf32>,
        %get3A_35 = vector.shape_cast %get3A_34 : vector<1x16xf32> to vector<16xf32>
        %sub3A = arith.subf %get3A_31, %get3A_35 : vector<16xf32>
        %swap3A = arith.index_cast %scan3A_28 : i32 to index
        %swap3A_36 = arith.constant 0 : index
        %swap3A_37 = tpu.vector_load %arg10[%swap3A, %swap3A_36] {strides = array<i32>} : memref<512x16xf32, #tpu.memory_space<vmem>>, vector<1x16xf32>,
        %swap3A_38 = vector.shape_cast %swap3A_37 : vector<1x16xf32> to vector<16xf32>
        %swap3A_39 = vector.shape_cast %sub3A : vector<16xf32> to vector<1x16xf32>
        tpu.vector_store %arg10[%swap3A, %swap3A_36], %swap3A_39 {strides = array<i32>} : memref<512x16xf32, #tpu.memory_space<vmem>>, vector<1x16xf32>,
      }
      %scan3A_27 = arith.constant 512 : i32
      "tpu.region"() ({
        %run_scoped3A = tpu.sem_alloc : memref<!tpu.dma_semaphore, #tpu.memory_space<semaphore_mem>>
        %dma_start3A_28 = arith.constant 0 : i32
        %dma_start3A_29 = tpu.memref_slice %arg5[%add3A_11, %dma_start3A_28] : memref<163840x16xf32, #tpu.memory_space<hbm>> -> memref<512x16xf32, #tpu.memory_space<hbm>>
        %dma_start3A_30 = arith.constant 0 : i32
        %dma_start3A_31 = tpu.memref_slice %arg5[%add3A_11, %dma_start3A_30] : memref<163840x16xf32, #tpu.memory_space<hbm>> -> memref<512x16xf32, #tpu.memory_space<hbm>>
        tpu.enqueue_dma source(%arg10 : memref<512x16xf32, #tpu.memory_space<vmem>>) target(%dma_start3A_31 : memref<512x16xf32, #tpu.memory_space<hbm>>) target_semaphore(%run_scoped3A : memref<!tpu.dma_semaphore, #tpu.memory_space<semaphore_mem>>)
        %dma_wait3A_32 = arith.constant 0 : i32
        %dma_wait3A_33 = tpu.memref_slice %arg5[%add3A_11, %dma_wait3A_32] : memref<163840x16xf32, #tpu.memory_space<hbm>> -> memref<512x16xf32, #tpu.memory_space<hbm>>
        %dma_wait3A_34 = arith.constant 0 : i32
        %dma_wait3A_35 = tpu.memref_slice %arg5[%add3A_11, %dma_wait3A_34] : memref<163840x16xf32, #tpu.memory_space<hbm>> -> memref<512x16xf32, #tpu.memory_space<hbm>>
        tpu.wait_dma2 semaphore(%run_scoped3A : memref<!tpu.dma_semaphore, #tpu.memory_space<semaphore_mem>>) src(%arg10 : memref<512x16xf32, #tpu.memory_space<vmem>>) dst(%dma_wait3A_35 : memref<512x16xf32, #tpu.memory_space<hbm>>)
        tpu.yield
      }) : () -> ()
    }
    %scan3A_5 = arith.constant 10 : i32
    return
  }
}

module attributes {stable_mosaic.version = 14 : i64} {
  func.func @_topk_body(%arg0: i32, %arg1: i32, %arg2: memref<1x256x3xf32, #tpu.memory_space<vmem>>, %arg3: memref<1x3x4096xf32, #tpu.memory_space<vmem>>, %arg4: memref<1x256x20xi32, #tpu.memory_space<vmem>>, %arg5: memref<1x256x20xi32, #tpu.memory_space<vmem>>) attributes {dimension_semantics = [#tpu.dimension_semantics<arbitrary>, #tpu.dimension_semantics<arbitrary>], iteration_bounds = array<i64: 2, 16>, scalar_prefetch = 0 : i64, scratch_operands = 0 : i64, tpu.core_type = #tpu.core_type<tc>, window_params = [{transform_indices = @transform_0, window_bounds = array<i64: 1, 256, 3>}, {transform_indices = @transform_1, window_bounds = array<i64: 1, 3, 4096>}, {transform_indices = @transform_2, window_bounds = array<i64: 1, 256, 20>}, {transform_indices = @transform_3, window_bounds = array<i64: 1, 256, 20>}]} {
    %get3A = arith.constant 0 : index
    %get3A_0 = arith.constant 0 : index
    %get3A_1 = arith.constant 0 : index
    %get3A_2 = vector.load %arg2[%get3A, %get3A_0, %get3A_1] : memref<1x256x3xf32, #tpu.memory_space<vmem>>, vector<1x256x3xf32>
    %get3A_3 = vector.shape_cast %get3A_2 : vector<1x256x3xf32> to vector<256x3xf32>
    %get3A_4 = arith.constant 0 : index
    %get3A_5 = arith.constant 0 : index
    %get3A_6 = arith.constant 0 : index
    %get3A_7 = vector.load %arg3[%get3A_4, %get3A_5, %get3A_6] : memref<1x3x4096xf32, #tpu.memory_space<vmem>>, vector<1x3x4096xf32>
    %get3A_8 = vector.shape_cast %get3A_7 : vector<1x3x4096xf32> to vector<3x4096xf32>
    %mul3A = arith.mulf %get3A_3, %get3A_3 : vector<256x3xf32>
    %reduce_sum3A = arith.constant dense<0.000000e+00> : vector<256xf32>
    %reduce_sum3A_9 = vector.multi_reduction <add>, %mul3A, %reduce_sum3A [1] : vector<256x3xf32> to vector<256xf32>
    %broadcast_in_dim3A = vector.shape_cast %reduce_sum3A_9 : vector<256xf32> to vector<256x1xf32>
    %mul3A_10 = arith.mulf %get3A_8, %get3A_8 : vector<3x4096xf32>
    %reduce_sum3A_11 = arith.constant dense<0.000000e+00> : vector<4096xf32>
    %reduce_sum3A_12 = vector.multi_reduction <add>, %mul3A_10, %reduce_sum3A_11 [0] : vector<3x4096xf32> to vector<4096xf32>
    %broadcast_in_dim3A_13 = vector.shape_cast %reduce_sum3A_12 : vector<4096xf32> to vector<1x4096xf32>
    %dot_general3A = arith.constant dense<0.000000e+00> : vector<256x4096xf32>
    %dot_general3A_14 = tpu.matmul %get3A_3, %get3A_8, %dot_general3A {dimension_numbers = #tpu.dot_dimension_numbers<[1], [0], [0], [1], [0, 0, 1, 1], [], []>, transpose_lhs_hint = false} : vector<256x3xf32>, vector<3x4096xf32>, vector<256x4096xf32> -> vector<256x4096xf32>
    %add3A = vector.broadcast %broadcast_in_dim3A : vector<256x1xf32> to vector<256x4096xf32>
    %add3A_15 = vector.broadcast %broadcast_in_dim3A_13 : vector<1x4096xf32> to vector<256x4096xf32>
    %add3A_16 = arith.addf %add3A, %add3A_15 : vector<256x4096xf32>
    %mul3A_17 = arith.constant 2.000000e+00 : f32
    %mul3A_18 = vector.broadcast %mul3A_17 : f32 to vector<256x4096xf32>
    %mul3A_19 = arith.mulf %mul3A_18, %dot_general3A_14 : vector<256x4096xf32>
    %sub3A = arith.subf %add3A_16, %mul3A_19 : vector<256x4096xf32>
    %max3A = arith.constant 0.000000e+00 : f32
    %max3A_20 = vector.broadcast %max3A : f32 to vector<256x4096xf32>
    %max3A_21 = arith.maximumf %sub3A, %max3A_20 : vector<256x4096xf32>
    %iota3A = tpu.iota {dimensions = array<i32: 1>} : vector<256x4096xi32>
    %reduce_min3A = arith.constant dense<0x7F800000> : vector<256xf32>
    %reduce_min3A_22 = vector.multi_reduction <minimumf>, %max3A_21, %reduce_min3A [1] : vector<256x4096xf32> to vector<256xf32>
    %broadcast_in_dim3A_23 = vector.shape_cast %reduce_min3A_22 : vector<256xf32> to vector<256x1xf32>
    %eq3A = vector.broadcast %broadcast_in_dim3A_23 : vector<256x1xf32> to vector<256x4096xf32>
    %eq3A_24 = arith.cmpf oeq, %max3A_21, %eq3A : vector<256x4096xf32>
    %jit3A = arith.constant 4096 : i32
    %broadcast_in_dim3A_25 = vector.broadcast %jit3A : i32 to vector<256x4096xi32>
    %select_n3A = arith.select %eq3A_24, %iota3A, %broadcast_in_dim3A_25 : vector<256x4096xi1>, vector<256x4096xi32>
    %reduce_min3A_26 = arith.constant dense<2147483647> : vector<256xi32>
    %reduce_min3A_27 = vector.multi_reduction <minsi>, %select_n3A, %reduce_min3A_26 [1] : vector<256x4096xi32> to vector<256xi32>
    %broadcast_in_dim3A_28 = vector.shape_cast %reduce_min3A_27 : vector<256xi32> to vector<256x1xi32>
    %eq3A_29 = vector.broadcast %broadcast_in_dim3A_28 : vector<256x1xi32> to vector<256x4096xi32>
    %eq3A_30 = arith.cmpi eq, %iota3A, %eq3A_29 : vector<256x4096xi32>
    %jit3A_31 = arith.constant 0x7F800000 : f32
    %broadcast_in_dim3A_32 = vector.broadcast %jit3A_31 : f32 to vector<256x4096xf32>
    %select_n3A_33 = arith.select %eq3A_30, %broadcast_in_dim3A_32, %max3A_21 : vector<256x4096xi1>, vector<256x4096xf32>
    %reduce_min3A_34 = arith.constant dense<0x7F800000> : vector<256xf32>
    %reduce_min3A_35 = vector.multi_reduction <minimumf>, %select_n3A_33, %reduce_min3A_34 [1] : vector<256x4096xf32> to vector<256xf32>
    %broadcast_in_dim3A_36 = vector.shape_cast %reduce_min3A_35 : vector<256xf32> to vector<256x1xf32>
    %eq3A_37 = vector.broadcast %broadcast_in_dim3A_36 : vector<256x1xf32> to vector<256x4096xf32>
    %eq3A_38 = arith.cmpf oeq, %select_n3A_33, %eq3A_37 : vector<256x4096xf32>
    %jit3A_39 = arith.constant 4096 : i32
    %broadcast_in_dim3A_40 = vector.broadcast %jit3A_39 : i32 to vector<256x4096xi32>
    %select_n3A_41 = arith.select %eq3A_38, %iota3A, %broadcast_in_dim3A_40 : vector<256x4096xi1>, vector<256x4096xi32>
    %reduce_min3A_42 = arith.constant dense<2147483647> : vector<256xi32>
    %reduce_min3A_43 = vector.multi_reduction <minsi>, %select_n3A_41, %reduce_min3A_42 [1] : vector<256x4096xi32> to vector<256xi32>
    %broadcast_in_dim3A_44 = vector.shape_cast %reduce_min3A_43 : vector<256xi32> to vector<256x1xi32>
    %eq3A_45 = vector.broadcast %broadcast_in_dim3A_44 : vector<256x1xi32> to vector<256x4096xi32>
    %eq3A_46 = arith.cmpi eq, %iota3A, %eq3A_45 : vector<256x4096xi32>
    %jit3A_47 = arith.constant 0x7F800000 : f32
    %broadcast_in_dim3A_48 = vector.broadcast %jit3A_47 : f32 to vector<256x4096xf32>
    %select_n3A_49 = arith.select %eq3A_46, %broadcast_in_dim3A_48, %select_n3A_33 : vector<256x4096xi1>, vector<256x4096xf32>
    %reduce_min3A_50 = arith.constant dense<0x7F800000> : vector<256xf32>
    %reduce_min3A_51 = vector.multi_reduction <minimumf>, %select_n3A_49, %reduce_min3A_50 [1] : vector<256x4096xf32> to vector<256xf32>
    %broadcast_in_dim3A_52 = vector.shape_cast %reduce_min3A_51 : vector<256xf32> to vector<256x1xf32>
    %eq3A_53 = vector.broadcast %broadcast_in_dim3A_52 : vector<256x1xf32> to vector<256x4096xf32>
    %eq3A_54 = arith.cmpf oeq, %select_n3A_49, %eq3A_53 : vector<256x4096xf32>
    %jit3A_55 = arith.constant 4096 : i32
    %broadcast_in_dim3A_56 = vector.broadcast %jit3A_55 : i32 to vector<256x4096xi32>
    %select_n3A_57 = arith.select %eq3A_54, %iota3A, %broadcast_in_dim3A_56 : vector<256x4096xi1>, vector<256x4096xi32>
    %reduce_min3A_58 = arith.constant dense<2147483647> : vector<256xi32>
    %reduce_min3A_59 = vector.multi_reduction <minsi>, %select_n3A_57, %reduce_min3A_58 [1] : vector<256x4096xi32> to vector<256xi32>
    %broadcast_in_dim3A_60 = vector.shape_cast %reduce_min3A_59 : vector<256xi32> to vector<256x1xi32>
    %eq3A_61 = vector.broadcast %broadcast_in_dim3A_60 : vector<256x1xi32> to vector<256x4096xi32>
    %eq3A_62 = arith.cmpi eq, %iota3A, %eq3A_61 : vector<256x4096xi32>
    %jit3A_63 = arith.constant 0x7F800000 : f32
    %broadcast_in_dim3A_64 = vector.broadcast %jit3A_63 : f32 to vector<256x4096xf32>
    %select_n3A_65 = arith.select %eq3A_62, %broadcast_in_dim3A_64, %select_n3A_49 : vector<256x4096xi1>, vector<256x4096xf32>
    %reduce_min3A_66 = arith.constant dense<0x7F800000> : vector<256xf32>
    %reduce_min3A_67 = vector.multi_reduction <minimumf>, %select_n3A_65, %reduce_min3A_66 [1] : vector<256x4096xf32> to vector<256xf32>
    %broadcast_in_dim3A_68 = vector.shape_cast %reduce_min3A_67 : vector<256xf32> to vector<256x1xf32>
    %eq3A_69 = vector.broadcast %broadcast_in_dim3A_68 : vector<256x1xf32> to vector<256x4096xf32>
    %eq3A_70 = arith.cmpf oeq, %select_n3A_65, %eq3A_69 : vector<256x4096xf32>
    %jit3A_71 = arith.constant 4096 : i32
    %broadcast_in_dim3A_72 = vector.broadcast %jit3A_71 : i32 to vector<256x4096xi32>
    %select_n3A_73 = arith.select %eq3A_70, %iota3A, %broadcast_in_dim3A_72 : vector<256x4096xi1>, vector<256x4096xi32>
    %reduce_min3A_74 = arith.constant dense<2147483647> : vector<256xi32>
    %reduce_min3A_75 = vector.multi_reduction <minsi>, %select_n3A_73, %reduce_min3A_74 [1] : vector<256x4096xi32> to vector<256xi32>
    %broadcast_in_dim3A_76 = vector.shape_cast %reduce_min3A_75 : vector<256xi32> to vector<256x1xi32>
    %eq3A_77 = vector.broadcast %broadcast_in_dim3A_76 : vector<256x1xi32> to vector<256x4096xi32>
    %eq3A_78 = arith.cmpi eq, %iota3A, %eq3A_77 : vector<256x4096xi32>
    %jit3A_79 = arith.constant 0x7F800000 : f32
    %broadcast_in_dim3A_80 = vector.broadcast %jit3A_79 : f32 to vector<256x4096xf32>
    %select_n3A_81 = arith.select %eq3A_78, %broadcast_in_dim3A_80, %select_n3A_65 : vector<256x4096xi1>, vector<256x4096xf32>
    %reduce_min3A_82 = arith.constant dense<0x7F800000> : vector<256xf32>
    %reduce_min3A_83 = vector.multi_reduction <minimumf>, %select_n3A_81, %reduce_min3A_82 [1] : vector<256x4096xf32> to vector<256xf32>
    %broadcast_in_dim3A_84 = vector.shape_cast %reduce_min3A_83 : vector<256xf32> to vector<256x1xf32>
    %eq3A_85 = vector.broadcast %broadcast_in_dim3A_84 : vector<256x1xf32> to vector<256x4096xf32>
    %eq3A_86 = arith.cmpf oeq, %select_n3A_81, %eq3A_85 : vector<256x4096xf32>
    %jit3A_87 = arith.constant 4096 : i32
    %broadcast_in_dim3A_88 = vector.broadcast %jit3A_87 : i32 to vector<256x4096xi32>
    %select_n3A_89 = arith.select %eq3A_86, %iota3A, %broadcast_in_dim3A_88 : vector<256x4096xi1>, vector<256x4096xi32>
    %reduce_min3A_90 = arith.constant dense<2147483647> : vector<256xi32>
    %reduce_min3A_91 = vector.multi_reduction <minsi>, %select_n3A_89, %reduce_min3A_90 [1] : vector<256x4096xi32> to vector<256xi32>
    %broadcast_in_dim3A_92 = vector.shape_cast %reduce_min3A_91 : vector<256xi32> to vector<256x1xi32>
    %eq3A_93 = vector.broadcast %broadcast_in_dim3A_92 : vector<256x1xi32> to vector<256x4096xi32>
    %eq3A_94 = arith.cmpi eq, %iota3A, %eq3A_93 : vector<256x4096xi32>
    %jit3A_95 = arith.constant 0x7F800000 : f32
    %broadcast_in_dim3A_96 = vector.broadcast %jit3A_95 : f32 to vector<256x4096xf32>
    %select_n3A_97 = arith.select %eq3A_94, %broadcast_in_dim3A_96, %select_n3A_81 : vector<256x4096xi1>, vector<256x4096xf32>
    %reduce_min3A_98 = arith.constant dense<0x7F800000> : vector<256xf32>
    %reduce_min3A_99 = vector.multi_reduction <minimumf>, %select_n3A_97, %reduce_min3A_98 [1] : vector<256x4096xf32> to vector<256xf32>
    %broadcast_in_dim3A_100 = vector.shape_cast %reduce_min3A_99 : vector<256xf32> to vector<256x1xf32>
    %eq3A_101 = vector.broadcast %broadcast_in_dim3A_100 : vector<256x1xf32> to vector<256x4096xf32>
    %eq3A_102 = arith.cmpf oeq, %select_n3A_97, %eq3A_101 : vector<256x4096xf32>
    %jit3A_103 = arith.constant 4096 : i32
    %broadcast_in_dim3A_104 = vector.broadcast %jit3A_103 : i32 to vector<256x4096xi32>
    %select_n3A_105 = arith.select %eq3A_102, %iota3A, %broadcast_in_dim3A_104 : vector<256x4096xi1>, vector<256x4096xi32>
    %reduce_min3A_106 = arith.constant dense<2147483647> : vector<256xi32>
    %reduce_min3A_107 = vector.multi_reduction <minsi>, %select_n3A_105, %reduce_min3A_106 [1] : vector<256x4096xi32> to vector<256xi32>
    %broadcast_in_dim3A_108 = vector.shape_cast %reduce_min3A_107 : vector<256xi32> to vector<256x1xi32>
    %eq3A_109 = vector.broadcast %broadcast_in_dim3A_108 : vector<256x1xi32> to vector<256x4096xi32>
    %eq3A_110 = arith.cmpi eq, %iota3A, %eq3A_109 : vector<256x4096xi32>
    %jit3A_111 = arith.constant 0x7F800000 : f32
    %broadcast_in_dim3A_112 = vector.broadcast %jit3A_111 : f32 to vector<256x4096xf32>
    %select_n3A_113 = arith.select %eq3A_110, %broadcast_in_dim3A_112, %select_n3A_97 : vector<256x4096xi1>, vector<256x4096xf32>
    %reduce_min3A_114 = arith.constant dense<0x7F800000> : vector<256xf32>
    %reduce_min3A_115 = vector.multi_reduction <minimumf>, %select_n3A_113, %reduce_min3A_114 [1] : vector<256x4096xf32> to vector<256xf32>
    %broadcast_in_dim3A_116 = vector.shape_cast %reduce_min3A_115 : vector<256xf32> to vector<256x1xf32>
    %eq3A_117 = vector.broadcast %broadcast_in_dim3A_116 : vector<256x1xf32> to vector<256x4096xf32>
    %eq3A_118 = arith.cmpf oeq, %select_n3A_113, %eq3A_117 : vector<256x4096xf32>
    %jit3A_119 = arith.constant 4096 : i32
    %broadcast_in_dim3A_120 = vector.broadcast %jit3A_119 : i32 to vector<256x4096xi32>
    %select_n3A_121 = arith.select %eq3A_118, %iota3A, %broadcast_in_dim3A_120 : vector<256x4096xi1>, vector<256x4096xi32>
    %reduce_min3A_122 = arith.constant dense<2147483647> : vector<256xi32>
    %reduce_min3A_123 = vector.multi_reduction <minsi>, %select_n3A_121, %reduce_min3A_122 [1] : vector<256x4096xi32> to vector<256xi32>
    %broadcast_in_dim3A_124 = vector.shape_cast %reduce_min3A_123 : vector<256xi32> to vector<256x1xi32>
    %eq3A_125 = vector.broadcast %broadcast_in_dim3A_124 : vector<256x1xi32> to vector<256x4096xi32>
    %eq3A_126 = arith.cmpi eq, %iota3A, %eq3A_125 : vector<256x4096xi32>
    %jit3A_127 = arith.constant 0x7F800000 : f32
    %broadcast_in_dim3A_128 = vector.broadcast %jit3A_127 : f32 to vector<256x4096xf32>
    %select_n3A_129 = arith.select %eq3A_126, %broadcast_in_dim3A_128, %select_n3A_113 : vector<256x4096xi1>, vector<256x4096xf32>
    %reduce_min3A_130 = arith.constant dense<0x7F800000> : vector<256xf32>
    %reduce_min3A_131 = vector.multi_reduction <minimumf>, %select_n3A_129, %reduce_min3A_130 [1] : vector<256x4096xf32> to vector<256xf32>
    %broadcast_in_dim3A_132 = vector.shape_cast %reduce_min3A_131 : vector<256xf32> to vector<256x1xf32>
    %eq3A_133 = vector.broadcast %broadcast_in_dim3A_132 : vector<256x1xf32> to vector<256x4096xf32>
    %eq3A_134 = arith.cmpf oeq, %select_n3A_129, %eq3A_133 : vector<256x4096xf32>
    %jit3A_135 = arith.constant 4096 : i32
    %broadcast_in_dim3A_136 = vector.broadcast %jit3A_135 : i32 to vector<256x4096xi32>
    %select_n3A_137 = arith.select %eq3A_134, %iota3A, %broadcast_in_dim3A_136 : vector<256x4096xi1>, vector<256x4096xi32>
    %reduce_min3A_138 = arith.constant dense<2147483647> : vector<256xi32>
    %reduce_min3A_139 = vector.multi_reduction <minsi>, %select_n3A_137, %reduce_min3A_138 [1] : vector<256x4096xi32> to vector<256xi32>
    %broadcast_in_dim3A_140 = vector.shape_cast %reduce_min3A_139 : vector<256xi32> to vector<256x1xi32>
    %eq3A_141 = vector.broadcast %broadcast_in_dim3A_140 : vector<256x1xi32> to vector<256x4096xi32>
    %eq3A_142 = arith.cmpi eq, %iota3A, %eq3A_141 : vector<256x4096xi32>
    %jit3A_143 = arith.constant 0x7F800000 : f32
    %broadcast_in_dim3A_144 = vector.broadcast %jit3A_143 : f32 to vector<256x4096xf32>
    %select_n3A_145 = arith.select %eq3A_142, %broadcast_in_dim3A_144, %select_n3A_129 : vector<256x4096xi1>, vector<256x4096xf32>
    %reduce_min3A_146 = arith.constant dense<0x7F800000> : vector<256xf32>
    %reduce_min3A_147 = vector.multi_reduction <minimumf>, %select_n3A_145, %reduce_min3A_146 [1] : vector<256x4096xf32> to vector<256xf32>
    %broadcast_in_dim3A_148 = vector.shape_cast %reduce_min3A_147 : vector<256xf32> to vector<256x1xf32>
    %eq3A_149 = vector.broadcast %broadcast_in_dim3A_148 : vector<256x1xf32> to vector<256x4096xf32>
    %eq3A_150 = arith.cmpf oeq, %select_n3A_145, %eq3A_149 : vector<256x4096xf32>
    %jit3A_151 = arith.constant 4096 : i32
    %broadcast_in_dim3A_152 = vector.broadcast %jit3A_151 : i32 to vector<256x4096xi32>
    %select_n3A_153 = arith.select %eq3A_150, %iota3A, %broadcast_in_dim3A_152 : vector<256x4096xi1>, vector<256x4096xi32>
    %reduce_min3A_154 = arith.constant dense<2147483647> : vector<256xi32>
    %reduce_min3A_155 = vector.multi_reduction <minsi>, %select_n3A_153, %reduce_min3A_154 [1] : vector<256x4096xi32> to vector<256xi32>
    %broadcast_in_dim3A_156 = vector.shape_cast %reduce_min3A_155 : vector<256xi32> to vector<256x1xi32>
    %eq3A_157 = vector.broadcast %broadcast_in_dim3A_156 : vector<256x1xi32> to vector<256x4096xi32>
    %eq3A_158 = arith.cmpi eq, %iota3A, %eq3A_157 : vector<256x4096xi32>
    %jit3A_159 = arith.constant 0x7F800000 : f32
    %broadcast_in_dim3A_160 = vector.broadcast %jit3A_159 : f32 to vector<256x4096xf32>
    %select_n3A_161 = arith.select %eq3A_158, %broadcast_in_dim3A_160, %select_n3A_145 : vector<256x4096xi1>, vector<256x4096xf32>
    %reduce_min3A_162 = arith.constant dense<0x7F800000> : vector<256xf32>
    %reduce_min3A_163 = vector.multi_reduction <minimumf>, %select_n3A_161, %reduce_min3A_162 [1] : vector<256x4096xf32> to vector<256xf32>
    %broadcast_in_dim3A_164 = vector.shape_cast %reduce_min3A_163 : vector<256xf32> to vector<256x1xf32>
    %eq3A_165 = vector.broadcast %broadcast_in_dim3A_164 : vector<256x1xf32> to vector<256x4096xf32>
    %eq3A_166 = arith.cmpf oeq, %select_n3A_161, %eq3A_165 : vector<256x4096xf32>
    %jit3A_167 = arith.constant 4096 : i32
    %broadcast_in_dim3A_168 = vector.broadcast %jit3A_167 : i32 to vector<256x4096xi32>
    %select_n3A_169 = arith.select %eq3A_166, %iota3A, %broadcast_in_dim3A_168 : vector<256x4096xi1>, vector<256x4096xi32>
    %reduce_min3A_170 = arith.constant dense<2147483647> : vector<256xi32>
    %reduce_min3A_171 = vector.multi_reduction <minsi>, %select_n3A_169, %reduce_min3A_170 [1] : vector<256x4096xi32> to vector<256xi32>
    %broadcast_in_dim3A_172 = vector.shape_cast %reduce_min3A_171 : vector<256xi32> to vector<256x1xi32>
    %eq3A_173 = vector.broadcast %broadcast_in_dim3A_172 : vector<256x1xi32> to vector<256x4096xi32>
    %eq3A_174 = arith.cmpi eq, %iota3A, %eq3A_173 : vector<256x4096xi32>
    %jit3A_175 = arith.constant 0x7F800000 : f32
    %broadcast_in_dim3A_176 = vector.broadcast %jit3A_175 : f32 to vector<256x4096xf32>
    %select_n3A_177 = arith.select %eq3A_174, %broadcast_in_dim3A_176, %select_n3A_161 : vector<256x4096xi1>, vector<256x4096xf32>
    %reduce_min3A_178 = arith.constant dense<0x7F800000> : vector<256xf32>
    %reduce_min3A_179 = vector.multi_reduction <minimumf>, %select_n3A_177, %reduce_min3A_178 [1] : vector<256x4096xf32> to vector<256xf32>
    %broadcast_in_dim3A_180 = vector.shape_cast %reduce_min3A_179 : vector<256xf32> to vector<256x1xf32>
    %eq3A_181 = vector.broadcast %broadcast_in_dim3A_180 : vector<256x1xf32> to vector<256x4096xf32>
    %eq3A_182 = arith.cmpf oeq, %select_n3A_177, %eq3A_181 : vector<256x4096xf32>
    %jit3A_183 = arith.constant 4096 : i32
    %broadcast_in_dim3A_184 = vector.broadcast %jit3A_183 : i32 to vector<256x4096xi32>
    %select_n3A_185 = arith.select %eq3A_182, %iota3A, %broadcast_in_dim3A_184 : vector<256x4096xi1>, vector<256x4096xi32>
    %reduce_min3A_186 = arith.constant dense<2147483647> : vector<256xi32>
    %reduce_min3A_187 = vector.multi_reduction <minsi>, %select_n3A_185, %reduce_min3A_186 [1] : vector<256x4096xi32> to vector<256xi32>
    %broadcast_in_dim3A_188 = vector.shape_cast %reduce_min3A_187 : vector<256xi32> to vector<256x1xi32>
    %eq3A_189 = vector.broadcast %broadcast_in_dim3A_188 : vector<256x1xi32> to vector<256x4096xi32>
    %eq3A_190 = arith.cmpi eq, %iota3A, %eq3A_189 : vector<256x4096xi32>
    %jit3A_191 = arith.constant 0x7F800000 : f32
    %broadcast_in_dim3A_192 = vector.broadcast %jit3A_191 : f32 to vector<256x4096xf32>
    %select_n3A_193 = arith.select %eq3A_190, %broadcast_in_dim3A_192, %select_n3A_177 : vector<256x4096xi1>, vector<256x4096xf32>
    %reduce_min3A_194 = arith.constant dense<0x7F800000> : vector<256xf32>
    %reduce_min3A_195 = vector.multi_reduction <minimumf>, %select_n3A_193, %reduce_min3A_194 [1] : vector<256x4096xf32> to vector<256xf32>
    %broadcast_in_dim3A_196 = vector.shape_cast %reduce_min3A_195 : vector<256xf32> to vector<256x1xf32>
    %eq3A_197 = vector.broadcast %broadcast_in_dim3A_196 : vector<256x1xf32> to vector<256x4096xf32>
    %eq3A_198 = arith.cmpf oeq, %select_n3A_193, %eq3A_197 : vector<256x4096xf32>
    %jit3A_199 = arith.constant 4096 : i32
    %broadcast_in_dim3A_200 = vector.broadcast %jit3A_199 : i32 to vector<256x4096xi32>
    %select_n3A_201 = arith.select %eq3A_198, %iota3A, %broadcast_in_dim3A_200 : vector<256x4096xi1>, vector<256x4096xi32>
    %reduce_min3A_202 = arith.constant dense<2147483647> : vector<256xi32>
    %reduce_min3A_203 = vector.multi_reduction <minsi>, %select_n3A_201, %reduce_min3A_202 [1] : vector<256x4096xi32> to vector<256xi32>
    %broadcast_in_dim3A_204 = vector.shape_cast %reduce_min3A_203 : vector<256xi32> to vector<256x1xi32>
    %eq3A_205 = vector.broadcast %broadcast_in_dim3A_204 : vector<256x1xi32> to vector<256x4096xi32>
    %eq3A_206 = arith.cmpi eq, %iota3A, %eq3A_205 : vector<256x4096xi32>
    %jit3A_207 = arith.constant 0x7F800000 : f32
    %broadcast_in_dim3A_208 = vector.broadcast %jit3A_207 : f32 to vector<256x4096xf32>
    %select_n3A_209 = arith.select %eq3A_206, %broadcast_in_dim3A_208, %select_n3A_193 : vector<256x4096xi1>, vector<256x4096xf32>
    %reduce_min3A_210 = arith.constant dense<0x7F800000> : vector<256xf32>
    %reduce_min3A_211 = vector.multi_reduction <minimumf>, %select_n3A_209, %reduce_min3A_210 [1] : vector<256x4096xf32> to vector<256xf32>
    %broadcast_in_dim3A_212 = vector.shape_cast %reduce_min3A_211 : vector<256xf32> to vector<256x1xf32>
    %eq3A_213 = vector.broadcast %broadcast_in_dim3A_212 : vector<256x1xf32> to vector<256x4096xf32>
    %eq3A_214 = arith.cmpf oeq, %select_n3A_209, %eq3A_213 : vector<256x4096xf32>
    %jit3A_215 = arith.constant 4096 : i32
    %broadcast_in_dim3A_216 = vector.broadcast %jit3A_215 : i32 to vector<256x4096xi32>
    %select_n3A_217 = arith.select %eq3A_214, %iota3A, %broadcast_in_dim3A_216 : vector<256x4096xi1>, vector<256x4096xi32>
    %reduce_min3A_218 = arith.constant dense<2147483647> : vector<256xi32>
    %reduce_min3A_219 = vector.multi_reduction <minsi>, %select_n3A_217, %reduce_min3A_218 [1] : vector<256x4096xi32> to vector<256xi32>
    %broadcast_in_dim3A_220 = vector.shape_cast %reduce_min3A_219 : vector<256xi32> to vector<256x1xi32>
    %eq3A_221 = vector.broadcast %broadcast_in_dim3A_220 : vector<256x1xi32> to vector<256x4096xi32>
    %eq3A_222 = arith.cmpi eq, %iota3A, %eq3A_221 : vector<256x4096xi32>
    %jit3A_223 = arith.constant 0x7F800000 : f32
    %broadcast_in_dim3A_224 = vector.broadcast %jit3A_223 : f32 to vector<256x4096xf32>
    %select_n3A_225 = arith.select %eq3A_222, %broadcast_in_dim3A_224, %select_n3A_209 : vector<256x4096xi1>, vector<256x4096xf32>
    %reduce_min3A_226 = arith.constant dense<0x7F800000> : vector<256xf32>
    %reduce_min3A_227 = vector.multi_reduction <minimumf>, %select_n3A_225, %reduce_min3A_226 [1] : vector<256x4096xf32> to vector<256xf32>
    %broadcast_in_dim3A_228 = vector.shape_cast %reduce_min3A_227 : vector<256xf32> to vector<256x1xf32>
    %eq3A_229 = vector.broadcast %broadcast_in_dim3A_228 : vector<256x1xf32> to vector<256x4096xf32>
    %eq3A_230 = arith.cmpf oeq, %select_n3A_225, %eq3A_229 : vector<256x4096xf32>
    %jit3A_231 = arith.constant 4096 : i32
    %broadcast_in_dim3A_232 = vector.broadcast %jit3A_231 : i32 to vector<256x4096xi32>
    %select_n3A_233 = arith.select %eq3A_230, %iota3A, %broadcast_in_dim3A_232 : vector<256x4096xi1>, vector<256x4096xi32>
    %reduce_min3A_234 = arith.constant dense<2147483647> : vector<256xi32>
    %reduce_min3A_235 = vector.multi_reduction <minsi>, %select_n3A_233, %reduce_min3A_234 [1] : vector<256x4096xi32> to vector<256xi32>
    %broadcast_in_dim3A_236 = vector.shape_cast %reduce_min3A_235 : vector<256xi32> to vector<256x1xi32>
    %eq3A_237 = vector.broadcast %broadcast_in_dim3A_236 : vector<256x1xi32> to vector<256x4096xi32>
    %eq3A_238 = arith.cmpi eq, %iota3A, %eq3A_237 : vector<256x4096xi32>
    %jit3A_239 = arith.constant 0x7F800000 : f32
    %broadcast_in_dim3A_240 = vector.broadcast %jit3A_239 : f32 to vector<256x4096xf32>
    %select_n3A_241 = arith.select %eq3A_238, %broadcast_in_dim3A_240, %select_n3A_225 : vector<256x4096xi1>, vector<256x4096xf32>
    %reduce_min3A_242 = arith.constant dense<0x7F800000> : vector<256xf32>
    %reduce_min3A_243 = vector.multi_reduction <minimumf>, %select_n3A_241, %reduce_min3A_242 [1] : vector<256x4096xf32> to vector<256xf32>
    %broadcast_in_dim3A_244 = vector.shape_cast %reduce_min3A_243 : vector<256xf32> to vector<256x1xf32>
    %eq3A_245 = vector.broadcast %broadcast_in_dim3A_244 : vector<256x1xf32> to vector<256x4096xf32>
    %eq3A_246 = arith.cmpf oeq, %select_n3A_241, %eq3A_245 : vector<256x4096xf32>
    %jit3A_247 = arith.constant 4096 : i32
    %broadcast_in_dim3A_248 = vector.broadcast %jit3A_247 : i32 to vector<256x4096xi32>
    %select_n3A_249 = arith.select %eq3A_246, %iota3A, %broadcast_in_dim3A_248 : vector<256x4096xi1>, vector<256x4096xi32>
    %reduce_min3A_250 = arith.constant dense<2147483647> : vector<256xi32>
    %reduce_min3A_251 = vector.multi_reduction <minsi>, %select_n3A_249, %reduce_min3A_250 [1] : vector<256x4096xi32> to vector<256xi32>
    %broadcast_in_dim3A_252 = vector.shape_cast %reduce_min3A_251 : vector<256xi32> to vector<256x1xi32>
    %eq3A_253 = vector.broadcast %broadcast_in_dim3A_252 : vector<256x1xi32> to vector<256x4096xi32>
    %eq3A_254 = arith.cmpi eq, %iota3A, %eq3A_253 : vector<256x4096xi32>
    %jit3A_255 = arith.constant 0x7F800000 : f32
    %broadcast_in_dim3A_256 = vector.broadcast %jit3A_255 : f32 to vector<256x4096xf32>
    %select_n3A_257 = arith.select %eq3A_254, %broadcast_in_dim3A_256, %select_n3A_241 : vector<256x4096xi1>, vector<256x4096xf32>
    %reduce_min3A_258 = arith.constant dense<0x7F800000> : vector<256xf32>
    %reduce_min3A_259 = vector.multi_reduction <minimumf>, %select_n3A_257, %reduce_min3A_258 [1] : vector<256x4096xf32> to vector<256xf32>
    %broadcast_in_dim3A_260 = vector.shape_cast %reduce_min3A_259 : vector<256xf32> to vector<256x1xf32>
    %eq3A_261 = vector.broadcast %broadcast_in_dim3A_260 : vector<256x1xf32> to vector<256x4096xf32>
    %eq3A_262 = arith.cmpf oeq, %select_n3A_257, %eq3A_261 : vector<256x4096xf32>
    %jit3A_263 = arith.constant 4096 : i32
    %broadcast_in_dim3A_264 = vector.broadcast %jit3A_263 : i32 to vector<256x4096xi32>
    %select_n3A_265 = arith.select %eq3A_262, %iota3A, %broadcast_in_dim3A_264 : vector<256x4096xi1>, vector<256x4096xi32>
    %reduce_min3A_266 = arith.constant dense<2147483647> : vector<256xi32>
    %reduce_min3A_267 = vector.multi_reduction <minsi>, %select_n3A_265, %reduce_min3A_266 [1] : vector<256x4096xi32> to vector<256xi32>
    %broadcast_in_dim3A_268 = vector.shape_cast %reduce_min3A_267 : vector<256xi32> to vector<256x1xi32>
    %eq3A_269 = vector.broadcast %broadcast_in_dim3A_268 : vector<256x1xi32> to vector<256x4096xi32>
    %eq3A_270 = arith.cmpi eq, %iota3A, %eq3A_269 : vector<256x4096xi32>
    %jit3A_271 = arith.constant 0x7F800000 : f32
    %broadcast_in_dim3A_272 = vector.broadcast %jit3A_271 : f32 to vector<256x4096xf32>
    %select_n3A_273 = arith.select %eq3A_270, %broadcast_in_dim3A_272, %select_n3A_257 : vector<256x4096xi1>, vector<256x4096xf32>
    %reduce_min3A_274 = arith.constant dense<0x7F800000> : vector<256xf32>
    %reduce_min3A_275 = vector.multi_reduction <minimumf>, %select_n3A_273, %reduce_min3A_274 [1] : vector<256x4096xf32> to vector<256xf32>
    %broadcast_in_dim3A_276 = vector.shape_cast %reduce_min3A_275 : vector<256xf32> to vector<256x1xf32>
    %eq3A_277 = vector.broadcast %broadcast_in_dim3A_276 : vector<256x1xf32> to vector<256x4096xf32>
    %eq3A_278 = arith.cmpf oeq, %select_n3A_273, %eq3A_277 : vector<256x4096xf32>
    %jit3A_279 = arith.constant 4096 : i32
    %broadcast_in_dim3A_280 = vector.broadcast %jit3A_279 : i32 to vector<256x4096xi32>
    %select_n3A_281 = arith.select %eq3A_278, %iota3A, %broadcast_in_dim3A_280 : vector<256x4096xi1>, vector<256x4096xi32>
    %reduce_min3A_282 = arith.constant dense<2147483647> : vector<256xi32>
    %reduce_min3A_283 = vector.multi_reduction <minsi>, %select_n3A_281, %reduce_min3A_282 [1] : vector<256x4096xi32> to vector<256xi32>
    %broadcast_in_dim3A_284 = vector.shape_cast %reduce_min3A_283 : vector<256xi32> to vector<256x1xi32>
    %eq3A_285 = vector.broadcast %broadcast_in_dim3A_284 : vector<256x1xi32> to vector<256x4096xi32>
    %eq3A_286 = arith.cmpi eq, %iota3A, %eq3A_285 : vector<256x4096xi32>
    %jit3A_287 = arith.constant 0x7F800000 : f32
    %broadcast_in_dim3A_288 = vector.broadcast %jit3A_287 : f32 to vector<256x4096xf32>
    %select_n3A_289 = arith.select %eq3A_286, %broadcast_in_dim3A_288, %select_n3A_273 : vector<256x4096xi1>, vector<256x4096xf32>
    %reduce_min3A_290 = arith.constant dense<0x7F800000> : vector<256xf32>
    %reduce_min3A_291 = vector.multi_reduction <minimumf>, %select_n3A_289, %reduce_min3A_290 [1] : vector<256x4096xf32> to vector<256xf32>
    %broadcast_in_dim3A_292 = vector.shape_cast %reduce_min3A_291 : vector<256xf32> to vector<256x1xf32>
    %eq3A_293 = vector.broadcast %broadcast_in_dim3A_292 : vector<256x1xf32> to vector<256x4096xf32>
    %eq3A_294 = arith.cmpf oeq, %select_n3A_289, %eq3A_293 : vector<256x4096xf32>
    %jit3A_295 = arith.constant 4096 : i32
    %broadcast_in_dim3A_296 = vector.broadcast %jit3A_295 : i32 to vector<256x4096xi32>
    %select_n3A_297 = arith.select %eq3A_294, %iota3A, %broadcast_in_dim3A_296 : vector<256x4096xi1>, vector<256x4096xi32>
    %reduce_min3A_298 = arith.constant dense<2147483647> : vector<256xi32>
    %reduce_min3A_299 = vector.multi_reduction <minsi>, %select_n3A_297, %reduce_min3A_298 [1] : vector<256x4096xi32> to vector<256xi32>
    %broadcast_in_dim3A_300 = vector.shape_cast %reduce_min3A_299 : vector<256xi32> to vector<256x1xi32>
    %eq3A_301 = vector.broadcast %broadcast_in_dim3A_300 : vector<256x1xi32> to vector<256x4096xi32>
    %eq3A_302 = arith.cmpi eq, %iota3A, %eq3A_301 : vector<256x4096xi32>
    %jit3A_303 = arith.constant 0x7F800000 : f32
    %broadcast_in_dim3A_304 = vector.broadcast %jit3A_303 : f32 to vector<256x4096xf32>
    %select_n3A_305 = arith.select %eq3A_302, %broadcast_in_dim3A_304, %select_n3A_289 : vector<256x4096xi1>, vector<256x4096xf32>
    %reduce_min3A_306 = arith.constant dense<0x7F800000> : vector<256xf32>
    %reduce_min3A_307 = vector.multi_reduction <minimumf>, %select_n3A_305, %reduce_min3A_306 [1] : vector<256x4096xf32> to vector<256xf32>
    %broadcast_in_dim3A_308 = vector.shape_cast %reduce_min3A_307 : vector<256xf32> to vector<256x1xf32>
    %eq3A_309 = vector.broadcast %broadcast_in_dim3A_308 : vector<256x1xf32> to vector<256x4096xf32>
    %eq3A_310 = arith.cmpf oeq, %select_n3A_305, %eq3A_309 : vector<256x4096xf32>
    %jit3A_311 = arith.constant 4096 : i32
    %broadcast_in_dim3A_312 = vector.broadcast %jit3A_311 : i32 to vector<256x4096xi32>
    %select_n3A_313 = arith.select %eq3A_310, %iota3A, %broadcast_in_dim3A_312 : vector<256x4096xi1>, vector<256x4096xi32>
    %reduce_min3A_314 = arith.constant dense<2147483647> : vector<256xi32>
    %reduce_min3A_315 = vector.multi_reduction <minsi>, %select_n3A_313, %reduce_min3A_314 [1] : vector<256x4096xi32> to vector<256xi32>
    %broadcast_in_dim3A_316 = vector.shape_cast %reduce_min3A_315 : vector<256xi32> to vector<256x1xi32>
    %eq3A_317 = vector.broadcast %broadcast_in_dim3A_316 : vector<256x1xi32> to vector<256x4096xi32>
    %eq3A_318 = arith.cmpi eq, %iota3A, %eq3A_317 : vector<256x4096xi32>
    %jit3A_319 = arith.constant 0x7F800000 : f32
    %broadcast_in_dim3A_320 = vector.broadcast %jit3A_319 : f32 to vector<256x4096xf32>
    %select_n3A_321 = arith.select %eq3A_318, %broadcast_in_dim3A_320, %select_n3A_305 : vector<256x4096xi1>, vector<256x4096xf32>
    %reduce_min3A_322 = arith.constant dense<0x7F800000> : vector<256xf32>
    %reduce_min3A_323 = vector.multi_reduction <minimumf>, %select_n3A_321, %reduce_min3A_322 [1] : vector<256x4096xf32> to vector<256xf32>
    %broadcast_in_dim3A_324 = vector.shape_cast %reduce_min3A_323 : vector<256xf32> to vector<256x1xf32>
    %eq3A_325 = vector.broadcast %broadcast_in_dim3A_324 : vector<256x1xf32> to vector<256x4096xf32>
    %eq3A_326 = arith.cmpf oeq, %select_n3A_321, %eq3A_325 : vector<256x4096xf32>
    %jit3A_327 = arith.constant 4096 : i32
    %broadcast_in_dim3A_328 = vector.broadcast %jit3A_327 : i32 to vector<256x4096xi32>
    %select_n3A_329 = arith.select %eq3A_326, %iota3A, %broadcast_in_dim3A_328 : vector<256x4096xi1>, vector<256x4096xi32>
    %reduce_min3A_330 = arith.constant dense<2147483647> : vector<256xi32>
    %reduce_min3A_331 = vector.multi_reduction <minsi>, %select_n3A_329, %reduce_min3A_330 [1] : vector<256x4096xi32> to vector<256xi32>
    %broadcast_in_dim3A_332 = vector.shape_cast %reduce_min3A_331 : vector<256xi32> to vector<256x1xi32>
    %eq3A_333 = vector.broadcast %broadcast_in_dim3A_332 : vector<256x1xi32> to vector<256x4096xi32>
    %eq3A_334 = arith.cmpi eq, %iota3A, %eq3A_333 : vector<256x4096xi32>
    %jit3A_335 = arith.constant 0x7F800000 : f32
    %broadcast_in_dim3A_336 = vector.broadcast %jit3A_335 : f32 to vector<256x4096xf32>
    %select_n3A_337 = arith.select %eq3A_334, %broadcast_in_dim3A_336, %select_n3A_321 : vector<256x4096xi1>, vector<256x4096xf32>
    %reduce_min3A_338 = arith.constant dense<0x7F800000> : vector<256xf32>
    %reduce_min3A_339 = vector.multi_reduction <minimumf>, %select_n3A_337, %reduce_min3A_338 [1] : vector<256x4096xf32> to vector<256xf32>
    %broadcast_in_dim3A_340 = vector.shape_cast %reduce_min3A_339 : vector<256xf32> to vector<256x1xf32>
    %eq3A_341 = vector.broadcast %broadcast_in_dim3A_340 : vector<256x1xf32> to vector<256x4096xf32>
    %eq3A_342 = arith.cmpf oeq, %select_n3A_337, %eq3A_341 : vector<256x4096xf32>
    %jit3A_343 = arith.constant 4096 : i32
    %broadcast_in_dim3A_344 = vector.broadcast %jit3A_343 : i32 to vector<256x4096xi32>
    %select_n3A_345 = arith.select %eq3A_342, %iota3A, %broadcast_in_dim3A_344 : vector<256x4096xi1>, vector<256x4096xi32>
    %reduce_min3A_346 = arith.constant dense<2147483647> : vector<256xi32>
    %reduce_min3A_347 = vector.multi_reduction <minsi>, %select_n3A_345, %reduce_min3A_346 [1] : vector<256x4096xi32> to vector<256xi32>
    %broadcast_in_dim3A_348 = vector.shape_cast %reduce_min3A_347 : vector<256xi32> to vector<256x1xi32>
    %concatenate3A = tpu.concatenate %broadcast_in_dim3A_44, %broadcast_in_dim3A_60, %broadcast_in_dim3A_76, %broadcast_in_dim3A_92, %broadcast_in_dim3A_108, %broadcast_in_dim3A_124, %broadcast_in_dim3A_140, %broadcast_in_dim3A_156, %broadcast_in_dim3A_172, %broadcast_in_dim3A_188, %broadcast_in_dim3A_204, %broadcast_in_dim3A_220, %broadcast_in_dim3A_236, %broadcast_in_dim3A_252, %broadcast_in_dim3A_268, %broadcast_in_dim3A_284, %broadcast_in_dim3A_300, %broadcast_in_dim3A_316, %broadcast_in_dim3A_332, %broadcast_in_dim3A_348 in 1 : vector<256x1xi32>, vector<256x1xi32>, vector<256x1xi32>, vector<256x1xi32>, vector<256x1xi32>, vector<256x1xi32>, vector<256x1xi32>, vector<256x1xi32>, vector<256x1xi32>, vector<256x1xi32>, vector<256x1xi32>, vector<256x1xi32>, vector<256x1xi32>, vector<256x1xi32>, vector<256x1xi32>, vector<256x1xi32>, vector<256x1xi32>, vector<256x1xi32>, vector<256x1xi32>, vector<256x1xi32> -> vector<256x20xi32>
    %swap3A = arith.constant 0 : index
    %swap3A_349 = arith.constant 0 : index
    %swap3A_350 = arith.constant 0 : index
    %swap3A_351 = vector.load %arg4[%swap3A, %swap3A_349, %swap3A_350] : memref<1x256x20xi32, #tpu.memory_space<vmem>>, vector<1x256x20xi32>
    %swap3A_352 = vector.shape_cast %swap3A_351 : vector<1x256x20xi32> to vector<256x20xi32>
    %swap3A_353 = vector.shape_cast %concatenate3A : vector<256x20xi32> to vector<1x256x20xi32>
    tpu.vector_store %arg4[%swap3A, %swap3A_349, %swap3A_350], %swap3A_353 {strides = array<i32>} : memref<1x256x20xi32, #tpu.memory_space<vmem>>, vector<1x256x20xi32>,
    %mul3A_354 = arith.constant 4096 : i32
    %mul3A_355 = arith.muli %arg0, %mul3A_354 : i32
    %add3A_356 = vector.broadcast %mul3A_355 : i32 to vector<256x20xi32>
    %add3A_357 = arith.addi %concatenate3A, %add3A_356 : vector<256x20xi32>
    %swap3A_358 = arith.constant 0 : index
    %swap3A_359 = arith.constant 0 : index
    %swap3A_360 = arith.constant 0 : index
    %swap3A_361 = vector.load %arg5[%swap3A_358, %swap3A_359, %swap3A_360] : memref<1x256x20xi32, #tpu.memory_space<vmem>>, vector<1x256x20xi32>
    %swap3A_362 = vector.shape_cast %swap3A_361 : vector<1x256x20xi32> to vector<256x20xi32>
    %swap3A_363 = vector.shape_cast %add3A_357 : vector<256x20xi32> to vector<1x256x20xi32>
    tpu.vector_store %arg5[%swap3A_358, %swap3A_359, %swap3A_360], %swap3A_363 {strides = array<i32>} : memref<1x256x20xi32, #tpu.memory_space<vmem>>, vector<1x256x20xi32>,
    return
  }
  func.func @transform_0(%arg0: i32, %arg1: i32) -> (i32, i32, i32) {
    %c0_i32 = arith.constant 0 : i32
    %c0_i32_0 = arith.constant 0 : i32
    return %arg0, %arg1, %c0_i32 : i32, i32, i32
  }
  func.func @transform_1(%arg0: i32, %arg1: i32) -> (i32, i32, i32) {
    %c0_i32 = arith.constant 0 : i32
    %c0_i32_0 = arith.constant 0 : i32
    %c0_i32_1 = arith.constant 0 : i32
    return %arg0, %c0_i32, %c0_i32_0 : i32, i32, i32
  }
  func.func @transform_2(%arg0: i32, %arg1: i32) -> (i32, i32, i32) {
    %c0_i32 = arith.constant 0 : i32
    %c0_i32_0 = arith.constant 0 : i32
    return %arg0, %arg1, %c0_i32 : i32, i32, i32
  }
  func.func @transform_3(%arg0: i32, %arg1: i32) -> (i32, i32, i32) {
    %c0_i32 = arith.constant 0 : i32
    %c0_i32_0 = arith.constant 0 : i32
    return %arg0, %arg1, %c0_i32 : i32, i32, i32
  }
}

</mosaic_0001>

<sc_bundles>
// kernel: kernel.4.cloned.1.call-start
scs
__scs_entry_jumppad:
0x0: {  	(pc) =	sbr.rel $0x88, $3  }
0x1: {  	(tag) =	ssettag $0x0;
	lr =	simm.s32 $0x1  }
0x2: {  	[smem:$0x3FA0] =	sst lr;
	_ =	strace $0xD0000000  }
0x3: {  	_ = 	snop  }
0x4: {  	_ = 	snop  }
0x5: {  	_ = 	snop  }
0x6: {  	_ = 	snop  }
0x7: {  	_ = 	snop  }
__scs_overlays_trampoline_lowered:
0x8: {  	[smem:$0x3FAF] =	sst s0  }
0x9: {  	[smem:$0x3FB0] =	sst s1  }
0xa: {  	[smem:$0x3FB1] =	sst s2  }
0xb: {  	[smem:$0x3FB2] =	sst s3  }
0xc: {  	[smem:$0x3FB3] =	sst s4  }
0xd: {  	[smem:$0x3FB4] =	sst s5  }
0xe: {  	[smem:$0x3FB5] =	sst s6  }
0xf: {  	[smem:$0x3FB6] =	sst s7  }
0x10: {  	[smem:$0x3FB7] =	sst s8  }
0x11: {  	[smem:$0x3FB8] =	sst s9;
	s0 =	simm.s32 @!p0 $0x0  }
0x12: {  	s1 =	sld [smem:$0x3F9E];
	s0 =	simm.s32 @p0 $0x1  }
0x13: {  	[smem:$0x3FB9] =	sst s0;
	s0 =	simm.s32 @!p1 $0x0  }
0x14: {  	s2 =	sld [smem:$0x3F9D];
	s0 =	simm.s32 @p1 $0x1  }
0x15: {  	[smem:$0x3FBA] =	sst s0;
	s0 =	simm.s32 @!p2 $0x0  }
0x16: {  	s3 =	sld [smem:$0x3FDB];
	s0 =	simm.s32 @p2 $0x1  }
0x17: {  	s4 =	simm.s32 $0x1BF5;
	[smem:$0x3FBC] =	sst s0  }
0x18: {  	s0 =	sld [smem:$0x3F9F];
	_ =	swait.ge [sflag:s4], $0x0  }
0x19: {  	s7 =	sld [smem:$0x3FA0]  }
0x1a: {  	s8 =	sadd.s32 $0xFFFFE003, lr  }
0x1b: {  	s9 =	sadd.s32 $0xFFFFFEF7, lr;
	s5 =	simm.s32 $0xFFFFFFFF;
	p2 =	slt.u32 s8, $0xFFFFF086  }
0x1c: {  	p1 =	slt.u32 s9, $0xF7A;
	s5 =	simm.s32 @!p2 $0x0  }
0x1d: {  	s5 =	simm.s32 @p1 $0x1;
	p0 =	seq.s32 s7, s2  }
0x1e: {  	s7 =	smul.u32 @!p0 $0xF7A, s2;
	p2 =	seq.s32 @!p0 s5, $0x0  }
0x1f: {  	s9 =	smul.u32 $0xF7A, s1;
	s8 =	simm.s32 @!p0 $0x1BF5;
	p2 =	por !p2, p0  }
0x20: {  	[sflag:s8] =	ssyncset.s32 @!p0 $0xFFFFF086;
	s6 =	sadd.s32 @!p0 s3, s7;
	s7 =	simm.s32 @!p0 $0x108  }
0x21: {  	s3 =	sadd.s32 s3, s9;
	s6 =	sadd.s32 @!p0 $0x88, s6;
	s7 =	simm.s32 @p2 $0x1082  }
0x22: {  	[simem:s7], [sflag:s8] =	dma.local @!p0 [hbm:s6], $0xF7A  }
0x23: {  	s9 =	sor.u32 $0xD0000000, s2;
	s6 =	simm.s32 $0x108;
	_ =	swait.ge @!p0 [sflag:s8], $0x0  }
0x24: {  	s3 =	sadd.s32 $0x88, s3;
	s6 =	simm.s32 @!p1 $0x1082;
	[sflag:s4] =	ssyncset.s32 $0xFFFFF086  }
0x25: {  	[simem:s6], [sflag:s4] =	dma.local [hbm:s3], $0xF7A  }
0x26: {  	[smem:$0x3FA0] =	sst s1;
	(tag) =	ssettag s2;
	_ =	strace s9  }
0x27: {  	s1 =	sld [smem:$0x3FB0]  }
0x28: {  	s2 =	sld [smem:$0x3FB1]  }
0x29: {  	s4 =	sld [smem:$0x3FB3]  }
0x2a: {  	p0 =	seq.s32 s5, $0x0;
	s5 =	sld [smem:$0x3FB4]  }
0x2b: {  	s6 =	sld [smem:$0x3FB5]  }
0x2c: {  	s7 =	sld [smem:$0x3FB6]  }
0x2d: {  	s3 =	simm.s32 $0x108;
	s8 =	sld [smem:$0x3FB7]  }
0x2e: {  	s3 =	simm.s32 @!p0 $0x1082;
	s9 =	sld [smem:$0x3FB8]  }
0x2f: {  	lr =	sadd.s32 s0, s3;
	s0 =	sld [smem:$0x3FAF]  }
0x30: {  	s3 =	sld [smem:$0x3FB2]  }
0x31: {  	[smem:$0x3FBB] =	sst s10  }
0x32: {  	s10 =	sld [smem:$0x3FB9];
	_ =	sdelay $0x3  }
0x33: {  	p0 =	seq.s32 s10, $0x1;
	s10 =	sld [smem:$0x3FBB];
	_ =	sdelay $0x3  }
0x34: {  	[smem:$0x3FBB] =	sst s10  }
0x35: {  	s10 =	sld [smem:$0x3FBA];
	_ =	sdelay $0x3  }
0x36: {  	p1 =	seq.s32 s10, $0x1;
	s10 =	sld [smem:$0x3FBB];
	_ =	sdelay $0x3  }
0x37: {  	[smem:$0x3FBB] =	sst s10  }
0x38: {  	s10 =	sld [smem:$0x3FBC]  }
0x39: {  	_ = 	snop;
	(pc) =	sbr.ind lr, $3  }
0x3a: {  	_ = 	snop  }
0x3b: {  	_ = 	snop  }
0x3c: {  	p2 =	seq.s32 s10, $0x1;
	s10 =	sld [smem:$0x3FBB]  }
0x3d: {  	_ =	shalt  }
0x3e: {  	_ =	shalt  }
0x3f: {  	_ =	shalt  }
0x40: {  	_ =	shalt  }
0x41: {  	_ =	shalt  }
0x42: {  	_ =	shalt  }
0x43: {  	_ =	shalt  }
0x44: {  	_ =	shalt  }
0x45: {  	_ =	shalt  }
0x46: {  	_ =	shalt  }
0x47: {  	_ =	shalt  }
0x48: {  	_ =	shalt  }
0x49: {  	_ =	shalt  }
0x4a: {  	_ =	shalt  }
0x4b: {  	_ =	shalt  }
0x4c: {  	_ =	shalt  }
0x4d: {  	_ =	shalt  }
0x4e: {  	_ =	shalt  }
0x4f: {  	_ =	shalt  }
0x50: {  	_ =	shalt  }
0x51: {  	_ =	shalt  }
0x52: {  	_ =	shalt  }
0x53: {  	_ =	shalt  }
0x54: {  	_ =	shalt  }
0x55: {  	_ =	shalt  }
0x56: {  	_ =	shalt  }
0x57: {  	_ =	shalt  }
0x58: {  	_ =	shalt  }
0x59: {  	_ =	shalt  }
0x5a: {  	_ =	shalt  }
0x5b: {  	_ =	shalt  }
0x5c: {  	_ =	shalt  }
0x5d: {  	_ =	shalt  }
0x5e: {  	_ =	shalt  }
0x5f: {  	_ =	shalt  }
0x60: {  	_ =	shalt  }
0x61: {  	_ =	shalt  }
0x62: {  	_ =	shalt  }
0x63: {  	_ =	shalt  }
0x64: {  	_ =	shalt  }
0x65: {  	_ =	shalt  }
0x66: {  	_ =	shalt  }
0x67: {  	_ =	shalt  }
0x68: {  	_ =	shalt  }
0x69: {  	_ =	shalt  }
0x6a: {  	_ =	shalt  }
0x6b: {  	_ =	shalt  }
0x6c: {  	_ =	shalt  }
0x6d: {  	_ =	shalt  }
0x6e: {  	_ =	shalt  }
0x6f: {  	_ =	shalt  }
0x70: {  	_ =	shalt  }
0x71: {  	_ =	shalt  }
0x72: {  	_ =	shalt  }
0x73: {  	_ =	shalt  }
0x74: {  	_ =	shalt  }
0x75: {  	_ =	shalt  }
0x76: {  	_ =	shalt  }
0x77: {  	_ =	shalt  }
0x78: {  	_ =	shalt  }
0x79: {  	_ =	shalt  }
0x7a: {  	_ =	shalt  }
0x7b: {  	_ =	shalt  }
0x7c: {  	_ =	shalt  }
0x7d: {  	_ =	shalt  }
0x7e: {  	_ =	shalt  }
0x7f: {  	_ =	shalt  }
0x80: {  	_ =	shalt  }
0x81: {  	_ =	shalt  }
0x82: {  	_ =	shalt  }
0x83: {  	_ =	shalt  }
0x84: {  	_ =	shalt  }
0x85: {  	_ =	shalt  }
0x86: {  	_ =	shalt  }
0x87: {  	_ =	shalt  }
.Lfunc_end0:
.L_simem_size_0:
called_computation_lowered:
.L_overlay_start_0:
0x88: {  	s2 =	sld [smem:$0x3FD9]  }
0x89: {  	s3 =	sld [smem:$0x3FFE];
	_ =	sdelay $0x1  }
0x8a: {  	s1 =	srdreg.scid  }
0x8b: {  	s0 =	sand.u32 $0x1, s1  }
0x8c: {  	s14 =	sshll.u32 s0, $0xA;
	s2 =	sadd.s32 s3, s2  }
0x8d: {  	s2 =	sadd.s32 s2, s14  }
0x8e: {  	[smem:$0x3FC7] =	sst s2  }
0x8f: {  	_ = 	snop  }
0x90: {  	s2 =	sld [smem:$0x3FD0];
	_ =	sdelay $0x2  }
0x91: {  	s15 =	simm.s32 $0xA;
	s4 =	simm.s32 $0x10  }
0x92: {  	[smem:s4], [sflag:s15] =	dma.local [hbm:s2], $0x1  }
0x93: {  	_ =	swait.eq [sflag:s15], $0x1  }
0x94: {  	[sflag:s15] =	ssyncset.done $0x0  }
0x95: {  	s16 =	sld [smem:$0x13];
	[sflag:s15] =	ssyncadd.s32 $0xFFFFFFFF  }
0x96: {  	s17 =	sld [smem:$0x14];
	(tm) =	ssettm $0x1  }
0x97: {  	s18 =	sld [smem:$0x3FFB];
	_ =	sdelay $0x3  }
0x98: {  	_ =	strace s18  }
0x99: {  	s4 =	sld [smem:$0x3FFC];
	_ =	sdelay $0x3  }
0x9a: {  	_ =	strace s4  }
0x9b: {  	s4 =	sld [smem:$0x3FFD];
	_ =	sdelay $0x3  }
0x9c: {  	_ =	strace s4  }
0x9d: {  	_ =	strace $0x8FFFFFFF  }
0x9e: {  	s19 =	sld [smem:$0x3FDB];
	_ =	sdelay $0x1  }
0x9f: {  	s5 =	simm.s32 $_scs_section_size  }
0xa0: {  	s6 =	simm.s32 $_size__tile_overlayer_lowered;
	s7 =	simm.s32 $_tile_overlayer_lowered  }
0xa1: {  	s22 =	simm.s32 $0x1BFF;
	s21 =	sshll.u32 s7, $0x1;
	s4 =	sadd.s32 s5, s19  }
0xa2: {  	s8 =	simm.s32 $0x0;
	s20 =	sshll.u32 s6, $0x1;
	s6 =	sadd.s32 s21, s4  }
0xa3: {  	[timem:s8], [sflag:s22] =	dma.local [hbm:s6], s20  }
0xa4: {  	_ =	swait.ge [sflag:s22], s20  }
0xa5: {  	s5 =	ssub.s32 $0x0, s20;
	[sflag:s22] =	ssyncset.done $0x0  }
0xa6: {  	[sflag:s22] =	ssyncadd.s32 s5;
	_ =	sdelay $0x1  }
0xa7: {  	s23 =	simm.s32 $0x1B8B  }
0xa8: {  	_ =	swait.ge [sflag:s23], $0x1  }
0xa9: {  	[sflag:s23] =	ssyncset.done $0x0  }
0xaa: {  	s25 =	simm.s32 $0x1B8E;
	s24 =	sld [smem:$0x3FFE];
	[sflag:s23] =	ssyncadd.s32 $0xFFFFFFFF  }
0xab: {  	s26 =	simm.s32 $execute0_lowered;
	[smem:$0x3FD2] =	sst s25  }
0xac: {  	s6 =	sshll.u32 s26, $0x1;
	_ =	strace $0x80000046;
	[dreg:$0x1] =	wrdreg $0xFFFFFFFF  }
0xad: {  	s28 =	simm.s32 $_size_execute0_lowered;
	s4 =	sadd.s32 s4, s6;
	[dreg:$0x0] =	wrdreg $0x0  }
0xae: {  	s6 =	sshll.u32 s28, $0x1;
	[dreg:$0x2] =	wrdreg s4  }
0xaf: {  	[dreg:$0x3] =	wrdreg s6  }
0xb0: {  	[dreg:$0x4] =	wrdreg $0xC0  }
0xb1: {  	_ =	task [dreg:s8], $0x5FFFF  }
0xb2: {  	[dreg:$0x1] =	wrdreg $0xFFFFFFFF  }
0xb3: {  	[dreg:$0x0] =	wrdreg $0x60  }
0xb4: {  	[dreg:$0x2] =	wrdreg s24  }
0xb5: {  	[dreg:$0x3] =	wrdreg s16  }
0xb6: {  	[dreg:$0x4] =	wrdreg s17  }
0xb7: {  	[dreg:$0x5] =	wrdreg $0x9  }
0xb8: {  	_ =	task.clear_ibuf [dreg:s8], $0x6FFFF;
	_ =	strace $0x90000046  }
0xb9: {  	s29 =	simm.s32 $0x9;
	_ =	strace $0x80000048  }
0xba: {  	_ =	swait.ge [sflag:s29], $0x1  }
0xbb: {  	[sflag:s29] =	ssyncadd.s32 $0xFFFFFFFF  }
0xbc: {  	_ =	strace $0x90000048  }
0xbd: {  	_ =	sfence  }
0xbe: {  	s30 =	sld [smem:$0x0];
	_ =	sdelay $0x2  }
0xbf: {  	s31 =	sshll.u32 s1, $0xD;
	s1 =	sshrl.u32 s1, $0x2  }
0xc0: {  	s3 =	sand.u32 $0x4000, s31;
	s1 =	sadd.s32 s1, s30  }
0xc1: {  	s0 =	sor.u32 s3, s0;
	s1 =	sshll.u32 s1, $0x11  }
0xc2: {  	s0 =	sor.u32 s1, s0  }
0xc3: {  	s0 =	sadd.s32 $0x8F2B, s0  }
0xc4: {  	[sflag:s0] =	ssyncadd.remote.s32 $0x1  }
0xc5: {  	_ =	sfence.sel $0xFFFF  }
0xc6: {  	[dreg:$0x0] =	wrdreg $0xFFFFFFFF;
	(pc) =	sbr.abs _section_cstart, $3  }
0xc7: {  	[dreg:$0x1] =	wrdreg $0xFFFFFFFF  }
0xc8: {  	_ =	task.clear_ibuf [dreg:s8], $0x2FFFF;
	_ =	strace $0x9FFFFFFF  }
0xc9: {  	(tm) =	ssettm $0x7FFFFFFF  }
tec
execute0_lowered:
.L_overlay_start_1:
0x0: {  	(tag) =	ssettag $0x1  }
0x1: {  	s6 =	rddreg [dreg:$0x0]  }
0x2: {  	s1 =	rddreg [dreg:$0x1]  }
0x3: {  	s2 =	rddreg [dreg:$0x2]  }
0x4: {  	s0 =	rddreg [dreg:$0x3];
	s3 =	simm.s32 $0x0  }
0x5: {  	s4 =	srdreg.scid;
	s11 =	simm.s32 $0x400;
	s12 =	simm.s32 $0x1  }
0x6: {  	s13 =	simm.s32 $0x2400;
	s14 =	simm.s32 $0x4400;
	s15 =	simm.s32 $0x0  }
0x7: {  	[smem:$0x7FF] =	sst s3;
	s7 =	sand.u32 $0x1, s4;
	s4 =	stileid.u32  }
0x8: {  	s5 =	sadd.s32 $0x800, s6;
	s6 =	sadd.s32 $0x4800, s6;
	s8 =	ssub.s32 $0x2, s7  }
0x9: {  	_ =	strace $0x80000047;
	s10 =	sshll.u32 s4, $0x1;
	s9 =	sshrl.u32 s8, $0x1  }
0xa: {  	s7 =	sor.u32 s7, s10;
	s10 =	simm.s32 $0x200;
	s8 =	ssub.s32 s8, s9  }
0xb: {  	s7 =	smul.u32 $0x1400, s7;
	s9 =	simm.s32 $0x2;
	s8 =	smax.u32 s8, $0x1  }
.LBB2_1:
0xc: {  	s16 =	simm.s32 $0x0  }
.LBB2_2:
0xd: {  	s17 =	sshll.u32 s16, $0x9  }
0xe: {  	s17 =	sadd.s32 s7, s17  }
0xf: {  	s18 =	sshrl.u32 s17, $0x3  }
0x10: {  	s20 =	simm.s32 $0x0;
	s19 =	sadd.s32 s1, s18  }
0x11: {  	[tilespmem:s20], [sflag:$0x2] =	stream.linear.gather [hbm4b:s19+s20], $0x200, $0x38;
	[tilespmem:$0x6400] =	vst v63  }
0x12: {  	_ =	swait.ge [sflag:s9], $0x200  }
0x13: {  	[sflag:s9] =	ssyncset.done $0x0  }
0x14: {  	s18 =	sadd.s32 s2, s18;
	[sflag:s9] =	ssyncadd.s32 $0xFFFFFE00  }
0x15: {  	[tilespmem:s10], [sflag:$0x2] =	stream.linear.gather [hbm4b:s18+s20], $0x200, $0x38;
	[tilespmem:$0x6400] =	vst v63  }
0x16: {  	_ =	swait.ge [sflag:s9], $0x200  }
0x17: {  	[sflag:s9] =	ssyncset.done $0x0  }
0x18: {  	[sflag:s9] =	ssyncadd.s32 $0xFFFFFE00  }
0x19: {  	[tilespmem:s11], [sflag:$0x1] =	stream.indirect.gather [hbm4b:s5+s10], $0x10, s20, s10, $0xb8;
	[tilespmem:$0x6400] =	vst v63  }
0x1a: {  	_ =	swait.ge [sflag:s12], $0x2000  }
0x1b: {  	[sflag:s12] =	ssyncset.done $0x0  }
0x1c: {  	[sflag:s12] =	ssyncadd.s32 $0xFFFFE000  }
0x1d: {  	[tilespmem:s13], [sflag:$0x1] =	stream.indirect.gather [hbm4b:s5+s10], $0x10, s10, s10, $0xb8;
	[tilespmem:$0x6400] =	vst v63  }
0x1e: {  	_ =	swait.ge [sflag:s12], $0x2000  }
0x1f: {  	[sflag:s12] =	ssyncset.done $0x0  }
0x20: {  	s18 =	simm.s32 $0x0;
	[sflag:s12] =	ssyncadd.s32 $0xFFFFE000  }
0x21: {  	v0 =	vld [tilespmem:s18+$0x2400]  }
0x22: {  	s19 =	simm.s32 $0x40;
	v1 =	vld [tilespmem:s18+$0x400]  }
.LBB2_3:
0x23: {  	_ = 	snop  }
0x24: {  	p0 =	sne.s32 s19, $0x7FC0  }
.Ltmp0:
0x25: {  	_ = 	snop;
	(pc) =	sbr.rel @p0 .LBB2_3-.Ltmp0, $4  }
0x26: {  	_ = 	snop  }
0x27: {  	s20 =	sshra.s32 s19, $0x2;
	v2 =	vsub.f32 v0, v1  }
0x28: {  	v0 =	vld [tilespmem:s20+$0x2400]  }
0x29: {  	s19 =	sadd.s32 $0x40, s19;
	v1 =	vld [tilespmem:s20+$0x400];
	[tilespmem:s18+$0x4400] =	vst v2;
	s18 =	smov.u32 s20  }
0x2a: {  	_ =	sdelay $0x3  }
0x2b: {  	s16 =	sadd.s32 $0x1, s16;
	v0 =	vsub.f32 v0, v1  }
0x2c: {  	s17 =	sshll.u32 s17, $0x1;
	p0 =	sne.s32 s16, $0xA  }
.Ltmp1:
0x2d: {  	s17 =	sadd.s32 s6, s17;
	[tilespmem:s18+$0x4400] =	vst v0;
	(pc) =	sbr.rel @p0 .LBB2_2-.Ltmp1, $4  }
0x2e: {  	[hbm4b:s17+s3] =	stream.linear.scatter [tilespmem:s14], [sflag:$0x2], $0x2000, $0x38;
	[tilespmem:$0x6400] =	vst v63  }
0x2f: {  	_ =	swait.ge [sflag:s9], $0x2000  }
0x30: {  	[sflag:s9] =	ssyncset.done $0x0  }
0x31: {  	[sflag:s9] =	ssyncadd.s32 $0xFFFFE000  }
0x32: {  	s15 =	sadd.s32 $0x1, s15  }
0x33: {  	p0 =	sne.s32 s15, s8  }
.Ltmp2:
0x34: {  	_ = 	snop;
	(pc) =	sbr.rel @p0 .LBB2_1-.Ltmp2, $1  }
0x35: {  	_ =	sdelay $0x3  }
0x36: {  	_ =	sfence.sel $0x180000  }
0x37: {  	[bflag:$0x0] =	sbarrier.arrive $0xFFFF  }
0x38: {  	p0 =	sne.s32 s4, $0x0;
	_ =	strace $0x90000047  }
0x39: {  	s0 =	sadd.s32 @!p0 $0x100000, s0;
	[bflag:$0x2] =	sbarrier.arrive $0xFFFF  }
0x3a: {  	[sflag:s0] =	ssyncadd.tile.s32 @!p0 $0x1;
	_ =	shalt  }
.Lfunc_end2:
_tile_overlayer_lowered:
.L_overlay_start_2:
0x3b: {  	(tag) =	ssettag $0x2  }
0x3c: {  	s0 =	rddreg [dreg:$0x0];
	s2 =	stileid.u32  }
0x3d: {  	s1 =	rddreg [dreg:$0x1];
	p0 =	sne.s32 s2, $0x0  }
0x3e: {  	s3 =	rddreg [dreg:$0x2];
	[bflag:$0x3] =	sbarrier.arrive $0xFFFF;
	s2 =	simm.s32 @!p0 $0x1C02  }
0x3f: {  	[timem:s3], [sflag:s2] =	dma.local @!p0 [hbm:s0], s1  }
0x40: {  	s0 =	simm.s32 @!p0 $0x2  }
0x41: {  	_ =	swait.ge @!p0 [sflag:s0], s1  }
0x42: {  	s1 =	ssub.s32 @!p0 $0x0, s1;
	[sflag:s0] =	ssyncset.done @!p0 $0x0  }
0x43: {  	[sflag:s0] =	ssyncadd.s32 @!p0 s1  }
0x44: {  	[bflag:$0x3] =	sbarrier.arrive $0xFFFF  }
0x45: {  	_ =	shalt  }

</sc_bundles>
